<compile_context>
chip_gen: v7x
topology: tpu7x:2x2x1
jax: 0.10.2.dev20260603
libtpu: 0.0.44.dev20260713+nightly
codegen_flags: <defaults>
</compile_context>

<pallas_src>
import jax
import jax.numpy as jnp
from jax import lax
from jax.experimental import pallas as pl
from jax.experimental.pallas import tpu as pltpu
from jax.experimental.pallas import tpu_sc as plsc

MAX_TILES = 4
LANES = 16


def _pos_body(ar_hbm, emb_hbm, pos_hbm, ar_v, idx_v, row_v):
    wid = lax.axis_index("s") * 2 + lax.axis_index("c")
    b = wid // MAX_TILES
    t = wid % MAX_TILES
    ar_v[pl.ds(LANES, LANES)] = jnp.full((LANES,), 1, jnp.int32)
    pltpu.sync_copy(ar_hbm, ar_v.at[pl.ds(0, LANES)])
    vh = ar_v[pl.ds(2 * b, LANES)]
    vw = ar_v[pl.ds(2 * b + 1, LANES)]
    rr = (jnp.where(t >= vw, 1, 0) + jnp.where(t >= 2 * vw, 1, 0)
          + jnp.where(t >= 3 * vw, 1, 0))
    cc = t - rr * vw
    fi = rr * MAX_TILES + cc
    fi = jnp.where(t < vh * vw, fi, MAX_TILES * MAX_TILES)
    idx_v[...] = fi
    pltpu.sync_copy(emb_hbm.at[idx_v.at[pl.ds(0, 1)]], row_v)
    pltpu.sync_copy(row_v, pos_hbm.at[pl.ds(wid, 1)])


def _masked_pos(ar_flat, emb_flat):
    d = emb_flat.shape[1]
    mesh = plsc.VectorSubcoreMesh(core_axis_name="c", subcore_axis_name="s")
    return pl.kernel(
        _pos_body,
        out_type=jax.ShapeDtypeStruct((2 * LANES, d), jnp.float32),
        mesh=mesh,
        scratch_types=[
            pltpu.VMEM((2 * LANES,), jnp.int32),
            pltpu.VMEM((LANES,), jnp.int32),
            pltpu.VMEM((1, d), jnp.float32),
        ],
    )(ar_flat, emb_flat)


TOK_BLK = 384


def _add_body(gate_ref, x_ref, pos_ref, o_ref):
    g = jnp.tanh(gate_ref[0])
    o_ref[...] = x_ref[...] + g * pos_ref[...]


def _broadcast_add(gate, xt, pos_r):
    bsz, n, n_tiles, d = xt.shape
    nb = pl.cdiv(n, TOK_BLK)
    return pl.pallas_call(
        _add_body,
        grid=(bsz, nb),
        in_specs=[
            pl.BlockSpec(memory_space=pltpu.SMEM),
            pl.BlockSpec((1, TOK_BLK, n_tiles, d), lambda i, k: (i, k, 0, 0)),
            pl.BlockSpec((1, 1, n_tiles, d), lambda i, k: (i, 0, 0, 0)),
        ],
        out_specs=pl.BlockSpec((1, TOK_BLK, n_tiles, d),
                               lambda i, k: (i, k, 0, 0)),
        out_shape=jax.ShapeDtypeStruct((bsz, n, n_tiles, d), jnp.float32),
    )(gate, xt, pos_r)


def kernel(x, aspect_ratio, embedding, gate):
    bsz, n_tiles, n_tok, d = x.shape
    ar_flat = aspect_ratio.astype(jnp.int32).reshape(-1)
    emb_flat = jnp.concatenate(
        [embedding.reshape(MAX_TILES * MAX_TILES, d),
         jnp.zeros((1, d), jnp.float32)], axis=0)
    pos = _masked_pos(ar_flat, emb_flat)
    xt = jnp.transpose(x, (0, 2, 1, 3))
    pos_r = pos.reshape(bsz, 1, n_tiles, d)
    outt = _broadcast_add(gate, xt, pos_r)
    return jnp.transpose(outt, (0, 2, 1, 3))

# --- scband reference (transcript-rebuilt; emitter-appended) ---
"""Pipeline reference for scband-tile-positional-embedding-16836271800394 (READ-ONLY COPY).

The authoritative reference and input builder live on the scoring server;
editing this copy changes nothing except your own understanding.
"""

import jax, jax.numpy as jnp
import numpy as np

MAX_NUM_TILES = 4
EMBED_DIM = 1280
BSZ = 8
N_TILES = 4
N_TOKENS = 1601

def setup_inputs(seed: int = 0) -> dict:
    key = jax.random.key(seed)
    k1, k2, k3 = jax.random.split(key, 3)
    x = jax.random.normal(k1, (BSZ, N_TILES, N_TOKENS, EMBED_DIM), dtype=jnp.float32)
    # aspect ratios (h, w) each in {1, 2} so h*w <= max_num_tiles=4
    aspect_ratio = jax.random.randint(k2, (BSZ, 2), 1, 3).astype(jnp.int64)
    scale = EMBED_DIM ** (-0.5)
    embedding = scale * jax.random.normal(k3, (MAX_NUM_TILES, MAX_NUM_TILES, 1, EMBED_DIM), dtype=jnp.float32)
    gate = jnp.zeros((1,), dtype=jnp.float32)
    return {"x": x, "aspect_ratio": aspect_ratio, "embedding": embedding, "gate": gate}

def reference(x, aspect_ratio, embedding, gate):
    g = jnp.tanh(gate)
    t = jnp.arange(x.shape[1])

    def per_batch(ar_b):
        n_tiles_h = ar_b[0]
        n_tiles_w = ar_b[1]
        n_non_padded = n_tiles_h * n_tiles_w
        rows = t // n_tiles_w
        cols = t % n_tiles_w
        pos_embed = embedding[rows, cols, :, :]
        mask = (t < n_non_padded).astype(x.dtype)[:, None, None]
        return pos_embed * mask

    pos_all = jax.vmap(per_batch)(aspect_ratio)
    return x + pos_all * g

if __name__ == "__main__":
    import jax
    _d = setup_inputs()
    print(jax.jit(kernel)(*tuple(_d.values())))

</pallas_src>

<mosaic_0001>
#map = affine_map<(d0, d1) -> (0)>
#map1 = affine_map<(d0, d1) -> (0, 0)>
module attributes {stable_mosaic.version = 14 : i64} {
  func.func @_pos_body(%arg0: i32, %arg1: i32, %arg2: memref<16xi32, #tpu.memory_space<hbm>>, %arg3: memref<17x1280xf32, #tpu.memory_space<hbm>>, %arg4: memref<32x1280xf32, #tpu.memory_space<hbm>>, %arg5: memref<32xi32, #tpu.memory_space<vmem>>, %arg6: memref<16xi32, #tpu.memory_space<vmem>>, %arg7: memref<1x1280xf32, #tpu.memory_space<vmem>>) attributes {dimension_semantics = [#tpu.dimension_semantics<core_parallel>, #tpu.dimension_semantics<subcore_parallel>], iteration_bounds = array<i64: 2, 16>, scalar_prefetch = 0 : i64, scratch_operands = 3 : i64, tpu.core_type = #tpu.core_type<sc_vector_subcore>, window_params = [{transform_indices = #map}, {transform_indices = #map1}, {transform_indices = #map1}]} {
    %mul3A = arith.constant 2 : i32
    %mul3A_0 = arith.muli %arg1, %mul3A : i32
    %add3A = arith.addi %mul3A_0, %arg0 : i32
    %jit3A = arith.constant 4 : i32
    %div3A = arith.divsi %add3A, %jit3A : i32
    %sign3A = arith.constant 0 : i32
    %sign3A_1 = arith.cmpi sgt, %add3A, %sign3A : i32
    %sign3A_2 = arith.extui %sign3A_1 : i1 to i32
    %sign3A_3 = arith.constant 0 : i32
    %sign3A_4 = arith.cmpi slt, %add3A, %sign3A_3 : i32
    %sign3A_5 = arith.extui %sign3A_4 : i1 to i32
    %sign3A_6 = arith.subi %sign3A_2, %sign3A_5 : i32
    %sign3A_7 = arith.constant 0 : i32
    %sign3A_8 = arith.cmpi sgt, %jit3A, %sign3A_7 : i32
    %sign3A_9 = arith.extui %sign3A_8 : i1 to i32
    %sign3A_10 = arith.constant 0 : i32
    %sign3A_11 = arith.cmpi slt, %jit3A, %sign3A_10 : i32
    %sign3A_12 = arith.extui %sign3A_11 : i1 to i32
    %sign3A_13 = arith.subi %sign3A_9, %sign3A_12 : i32
    %ne3A = arith.cmpi ne, %sign3A_6, %sign3A_13 : i32
    %rem3A = arith.remsi %add3A, %jit3A : i32
    %ne3A_14 = arith.constant 0 : i32
    %ne3A_15 = arith.cmpi ne, %rem3A, %ne3A_14 : i32
    %and3A = arith.andi %ne3A, %ne3A_15 : i1
    %sub3A = arith.constant 1 : i32
    %sub3A_16 = arith.subi %div3A, %sub3A : i32
    %select_n3A = arith.select %and3A, %sub3A_16, %div3A : i32
    %jit3A_17 = arith.constant 4 : i32
    %eq3A = arith.constant 0 : i32
    %eq3A_18 = arith.cmpi eq, %jit3A_17, %eq3A : i32
    %jit3A_19 = arith.constant 1 : i32
    %select_n3A_20 = arith.select %eq3A_18, %jit3A_19, %jit3A_17 : i32
    %rem3A_21 = arith.remsi %add3A, %select_n3A_20 : i32
    %ne3A_22 = arith.constant 0 : i32
    %ne3A_23 = arith.cmpi ne, %rem3A_21, %ne3A_22 : i32
    %lt3A = arith.constant 0 : i32
    %lt3A_24 = arith.cmpi slt, %rem3A_21, %lt3A : i32
    %lt3A_25 = arith.constant 0 : i32
    %lt3A_26 = arith.cmpi slt, %select_n3A_20, %lt3A_25 : i32
    %ne3A_27 = arith.xori %lt3A_24, %lt3A_26 : i1
    %and3A_28 = arith.andi %ne3A_27, %ne3A_23 : i1
    %add3A_29 = arith.addi %rem3A_21, %select_n3A_20 : i32
    %select_n3A_30 = arith.select %and3A_28, %add3A_29, %rem3A_21 : i32
    %broadcast_in_dim3A = arith.constant 1 : i32
    %broadcast_in_dim3A_31 = vector.broadcast %broadcast_in_dim3A : i32 to vector<16xi32>
    %swap3A = arith.constant 16 : index
    %swap3A_32 = tpu.vector_load %arg5[%swap3A] {strides = array<i32>} : memref<32xi32, #tpu.memory_space<vmem>>, vector<16xi32>,
    %swap3A_33 = vector.shape_cast %swap3A_32 : vector<16xi32> to vector<16xi32>
    %swap3A_34 = vector.shape_cast %broadcast_in_dim3A_31 : vector<16xi32> to vector<16xi32>
    tpu.vector_store %arg5[%swap3A], %swap3A_34 {strides = array<i32>} : memref<32xi32, #tpu.memory_space<vmem>>, vector<16xi32>,
    "tpu.region"() ({
      %run_scoped3A = tpu.sem_alloc : memref<!tpu.dma_semaphore, #tpu.memory_space<semaphore_mem>>
      %dma_start3A = arith.constant 0 : i32
      %dma_start3A_91 = tpu.memref_slice %arg5[%dma_start3A] : memref<32xi32, #tpu.memory_space<vmem>> -> memref<16xi32, #tpu.memory_space<vmem>>
      %dma_start3A_92 = arith.constant 0 : i32
      %dma_start3A_93 = tpu.memref_slice %arg5[%dma_start3A_92] : memref<32xi32, #tpu.memory_space<vmem>> -> memref<16xi32, #tpu.memory_space<vmem>>
      tpu.enqueue_dma source(%arg2 : memref<16xi32, #tpu.memory_space<hbm>>) target(%dma_start3A_93 : memref<16xi32, #tpu.memory_space<vmem>>) target_semaphore(%run_scoped3A : memref<!tpu.dma_semaphore, #tpu.memory_space<semaphore_mem>>)
      %dma_wait3A = arith.constant 0 : i32
      %dma_wait3A_94 = tpu.memref_slice %arg5[%dma_wait3A] : memref<32xi32, #tpu.memory_space<vmem>> -> memref<16xi32, #tpu.memory_space<vmem>>
      %dma_wait3A_95 = arith.constant 0 : i32
      %dma_wait3A_96 = tpu.memref_slice %arg5[%dma_wait3A_95] : memref<32xi32, #tpu.memory_space<vmem>> -> memref<16xi32, #tpu.memory_space<vmem>>
      tpu.wait_dma2 semaphore(%run_scoped3A : memref<!tpu.dma_semaphore, #tpu.memory_space<semaphore_mem>>) src(%arg2 : memref<16xi32, #tpu.memory_space<hbm>>) dst(%dma_wait3A_96 : memref<16xi32, #tpu.memory_space<vmem>>)
      tpu.yield
    }) : () -> ()
    %mul3A_35 = arith.constant 2 : i32
    %mul3A_36 = arith.muli %mul3A_35, %select_n3A : i32
    %get3A = arith.index_cast %mul3A_36 : i32 to index
    %get3A_37 = tpu.vector_load %arg5[%get3A] {strides = array<i32>} : memref<32xi32, #tpu.memory_space<vmem>>, vector<16xi32>,
    %get3A_38 = vector.shape_cast %get3A_37 : vector<16xi32> to vector<16xi32>
    %mul3A_39 = arith.constant 2 : i32
    %mul3A_40 = arith.muli %mul3A_39, %select_n3A : i32
    %add3A_41 = arith.constant 1 : i32
    %add3A_42 = arith.addi %mul3A_40, %add3A_41 : i32
    %get3A_43 = arith.index_cast %add3A_42 : i32 to index
    %get3A_44 = tpu.vector_load %arg5[%get3A_43] {strides = array<i32>} : memref<32xi32, #tpu.memory_space<vmem>>, vector<16xi32>,
    %get3A_45 = vector.shape_cast %get3A_44 : vector<16xi32> to vector<16xi32>
    %ge3A = vector.broadcast %select_n3A_30 : i32 to vector<16xi32>
    %ge3A_46 = arith.cmpi sge, %ge3A, %get3A_45 : vector<16xi32>
    %jit3A_47 = arith.constant 1 : i32
    %jit3A_48 = arith.constant 0 : i32
    %broadcast_in_dim3A_49 = vector.broadcast %jit3A_47 : i32 to vector<16xi32>
    %broadcast_in_dim3A_50 = vector.broadcast %jit3A_48 : i32 to vector<16xi32>
    %select_n3A_51 = arith.select %ge3A_46, %broadcast_in_dim3A_49, %broadcast_in_dim3A_50 : vector<16xi1>, vector<16xi32>
    %mul3A_52 = arith.constant 2 : i32
    %mul3A_53 = vector.broadcast %mul3A_52 : i32 to vector<16xi32>
    %mul3A_54 = arith.muli %mul3A_53, %get3A_45 : vector<16xi32>
    %ge3A_55 = vector.broadcast %select_n3A_30 : i32 to vector<16xi32>
    %ge3A_56 = arith.cmpi sge, %ge3A_55, %mul3A_54 : vector<16xi32>
    %jit3A_57 = arith.constant 1 : i32
    %jit3A_58 = arith.constant 0 : i32
    %broadcast_in_dim3A_59 = vector.broadcast %jit3A_57 : i32 to vector<16xi32>
    %broadcast_in_dim3A_60 = vector.broadcast %jit3A_58 : i32 to vector<16xi32>
    %select_n3A_61 = arith.select %ge3A_56, %broadcast_in_dim3A_59, %broadcast_in_dim3A_60 : vector<16xi1>, vector<16xi32>
    %add3A_62 = arith.addi %select_n3A_51, %select_n3A_61 : vector<16xi32>
    %mul3A_63 = arith.constant 3 : i32
    %mul3A_64 = vector.broadcast %mul3A_63 : i32 to vector<16xi32>
    %mul3A_65 = arith.muli %mul3A_64, %get3A_45 : vector<16xi32>
    %ge3A_66 = vector.broadcast %select_n3A_30 : i32 to vector<16xi32>
    %ge3A_67 = arith.cmpi sge, %ge3A_66, %mul3A_65 : vector<16xi32>
    %jit3A_68 = arith.constant 1 : i32
    %jit3A_69 = arith.constant 0 : i32
    %broadcast_in_dim3A_70 = vector.broadcast %jit3A_68 : i32 to vector<16xi32>
    %broadcast_in_dim3A_71 = vector.broadcast %jit3A_69 : i32 to vector<16xi32>
    %select_n3A_72 = arith.select %ge3A_67, %broadcast_in_dim3A_70, %broadcast_in_dim3A_71 : vector<16xi1>, vector<16xi32>
    %add3A_73 = arith.addi %add3A_62, %select_n3A_72 : vector<16xi32>
    %mul3A_74 = arith.muli %add3A_73, %get3A_45 : vector<16xi32>
    %sub3A_75 = vector.broadcast %select_n3A_30 : i32 to vector<16xi32>
    %sub3A_76 = arith.subi %sub3A_75, %mul3A_74 : vector<16xi32>
    %mul3A_77 = arith.constant 4 : i32
    %mul3A_78 = vector.broadcast %mul3A_77 : i32 to vector<16xi32>
    %mul3A_79 = arith.muli %add3A_73, %mul3A_78 : vector<16xi32>
    %add3A_80 = arith.addi %mul3A_79, %sub3A_76 : vector<16xi32>
    %mul3A_81 = arith.muli %get3A_38, %get3A_45 : vector<16xi32>
    %lt3A_82 = vector.broadcast %select_n3A_30 : i32 to vector<16xi32>
    %lt3A_83 = arith.cmpi slt, %lt3A_82, %mul3A_81 : vector<16xi32>
    %jit3A_84 = arith.constant 16 : i32
    %broadcast_in_dim3A_85 = vector.broadcast %jit3A_84 : i32 to vector<16xi32>
    %select_n3A_86 = arith.select %lt3A_83, %add3A_80, %broadcast_in_dim3A_85 : vector<16xi1>, vector<16xi32>
    %swap3A_87 = arith.constant 0 : index
    %swap3A_88 = tpu.vector_load %arg6[%swap3A_87] {strides = array<i32>} : memref<16xi32, #tpu.memory_space<vmem>>, vector<16xi32>,
    %swap3A_89 = vector.shape_cast %swap3A_88 : vector<16xi32> to vector<16xi32>
    %swap3A_90 = vector.shape_cast %select_n3A_86 : vector<16xi32> to vector<16xi32>
    tpu.vector_store %arg6[%swap3A_87], %swap3A_90 {strides = array<i32>} : memref<16xi32, #tpu.memory_space<vmem>>, vector<16xi32>,
    "tpu.region"() ({
      %run_scoped3A = tpu.sem_alloc : memref<!tpu.dma_semaphore, #tpu.memory_space<semaphore_mem>>
      %dma_start3A = arith.constant 0 : i32
      %dma_start3A_91 = tpu.memref_slice %arg6[%dma_start3A] : memref<16xi32, #tpu.memory_space<vmem>> -> memref<1xi32, #tpu.memory_space<vmem>>
      %dma_start3A_92 = arith.constant 0 : i32
      %dma_start3A_93 = arith.constant 0 : i32
      %dma_start3A_94 = tpu.memref_slice %arg3[%dma_start3A_92, %dma_start3A_93] : memref<17x1280xf32, #tpu.memory_space<hbm>> -> memref<17x1280xf32, #tpu.memory_space<hbm>>
      tpu.enqueue_indirect_dma source(%dma_start3A_94 : memref<17x1280xf32, #tpu.memory_space<hbm>>) target(%arg7 : memref<1x1280xf32, #tpu.memory_space<vmem>>) offsets(%dma_start3A_91 : memref<1xi32, #tpu.memory_space<vmem>>) semaphore(%run_scoped3A : memref<!tpu.dma_semaphore, #tpu.memory_space<semaphore_mem>>)
      %dma_wait3A = arith.constant 0 : i32
      %dma_wait3A_95 = tpu.memref_slice %arg6[%dma_wait3A] : memref<16xi32, #tpu.memory_space<vmem>> -> memref<1xi32, #tpu.memory_space<vmem>>
      %dma_wait3A_96 = arith.constant 0 : i32
      %dma_wait3A_97 = arith.constant 0 : i32
      %dma_wait3A_98 = tpu.memref_slice %arg3[%dma_wait3A_96, %dma_wait3A_97] : memref<17x1280xf32, #tpu.memory_space<hbm>> -> memref<17x1280xf32, #tpu.memory_space<hbm>>
      tpu.wait_indirect_dma semaphore(%run_scoped3A : memref<!tpu.dma_semaphore, #tpu.memory_space<semaphore_mem>>) src(%dma_wait3A_98 : memref<17x1280xf32, #tpu.memory_space<hbm>>) dst(%arg7 : memref<1x1280xf32, #tpu.memory_space<vmem>>)
      tpu.yield
    }) : () -> ()
    "tpu.region"() ({
      %run_scoped3A = tpu.sem_alloc : memref<!tpu.dma_semaphore, #tpu.memory_space<semaphore_mem>>
      %dma_start3A = arith.constant 0 : i32
      %dma_start3A_91 = tpu.memref_slice %arg4[%add3A, %dma_start3A] : memref<32x1280xf32, #tpu.memory_space<hbm>> -> memref<1x1280xf32, #tpu.memory_space<hbm>>
      %dma_start3A_92 = arith.constant 0 : i32
      %dma_start3A_93 = tpu.memref_slice %arg4[%add3A, %dma_start3A_92] : memref<32x1280xf32, #tpu.memory_space<hbm>> -> memref<1x1280xf32, #tpu.memory_space<hbm>>
      tpu.enqueue_dma source(%arg7 : memref<1x1280xf32, #tpu.memory_space<vmem>>) target(%dma_start3A_93 : memref<1x1280xf32, #tpu.memory_space<hbm>>) target_semaphore(%run_scoped3A : memref<!tpu.dma_semaphore, #tpu.memory_space<semaphore_mem>>)
      %dma_wait3A = arith.constant 0 : i32
      %dma_wait3A_94 = tpu.memref_slice %arg4[%add3A, %dma_wait3A] : memref<32x1280xf32, #tpu.memory_space<hbm>> -> memref<1x1280xf32, #tpu.memory_space<hbm>>
      %dma_wait3A_95 = arith.constant 0 : i32
      %dma_wait3A_96 = tpu.memref_slice %arg4[%add3A, %dma_wait3A_95] : memref<32x1280xf32, #tpu.memory_space<hbm>> -> memref<1x1280xf32, #tpu.memory_space<hbm>>
      tpu.wait_dma2 semaphore(%run_scoped3A : memref<!tpu.dma_semaphore, #tpu.memory_space<semaphore_mem>>) src(%arg7 : memref<1x1280xf32, #tpu.memory_space<vmem>>) dst(%dma_wait3A_96 : memref<1x1280xf32, #tpu.memory_space<hbm>>)
      tpu.yield
    }) : () -> ()
    return
  }
}

module attributes {stable_mosaic.version = 14 : i64} {
  func.func @_add_body(%arg0: i32, %arg1: i32, %arg2: memref<1xf32, #tpu.memory_space<smem>>, %arg3: memref<1x384x4x1280xf32, #tpu.memory_space<vmem>>, %arg4: memref<1x1x4x1280xf32, #tpu.memory_space<vmem>>, %arg5: memref<1x384x4x1280xf32, #tpu.memory_space<vmem>>) attributes {dimension_semantics = [#tpu.dimension_semantics<arbitrary>, #tpu.dimension_semantics<arbitrary>], iteration_bounds = array<i64: 8, 5>, scalar_prefetch = 0 : i64, scratch_operands = 0 : i64, tpu.core_type = #tpu.core_type<tc>, window_params = [{transform_indices = @transform_0, window_bounds = array<i64: 1>}, {transform_indices = @transform_1, window_bounds = array<i64: 1, 384, 4, 1280>}, {transform_indices = @transform_2, window_bounds = array<i64: 1, 1, 4, 1280>}, {transform_indices = @transform_3, window_bounds = array<i64: 1, 384, 4, 1280>}]} {
    %get3A = arith.constant 0 : index
    %get3A_0 = memref.load %arg2[%get3A] : memref<1xf32, #tpu.memory_space<smem>>
    %tanh3A = math.tanh %get3A_0 : f32
    %get3A_1 = arith.constant 0 : index
    %get3A_2 = arith.constant 0 : index
    %get3A_3 = arith.constant 0 : index
    %get3A_4 = arith.constant 0 : index
    %get3A_5 = vector.load %arg3[%get3A_1, %get3A_2, %get3A_3, %get3A_4] : memref<1x384x4x1280xf32, #tpu.memory_space<vmem>>, vector<1x384x4x1280xf32>
    %get3A_6 = arith.constant 0 : index
    %get3A_7 = arith.constant 0 : index
    %get3A_8 = arith.constant 0 : index
    %get3A_9 = arith.constant 0 : index
    %get3A_10 = vector.load %arg4[%get3A_6, %get3A_7, %get3A_8, %get3A_9] : memref<1x1x4x1280xf32, #tpu.memory_space<vmem>>, vector<1x1x4x1280xf32>
    %mul3A = vector.broadcast %tanh3A : f32 to vector<1x1x4x1280xf32>
    %mul3A_11 = arith.mulf %mul3A, %get3A_10 : vector<1x1x4x1280xf32>
    %add3A = vector.broadcast %mul3A_11 : vector<1x1x4x1280xf32> to vector<1x384x4x1280xf32>
    %add3A_12 = arith.addf %get3A_5, %add3A : vector<1x384x4x1280xf32>
    %swap3A = arith.constant 0 : index
    %swap3A_13 = arith.constant 0 : index
    %swap3A_14 = arith.constant 0 : index
    %swap3A_15 = arith.constant 0 : index
    %swap3A_16 = vector.load %arg5[%swap3A, %swap3A_13, %swap3A_14, %swap3A_15] : memref<1x384x4x1280xf32, #tpu.memory_space<vmem>>, vector<1x384x4x1280xf32>
    tpu.vector_store %arg5[%swap3A, %swap3A_13, %swap3A_14, %swap3A_15], %add3A_12 {strides = array<i32>} : memref<1x384x4x1280xf32, #tpu.memory_space<vmem>>, vector<1x384x4x1280xf32>,
    return
  }
  func.func @transform_0(%arg0: i32, %arg1: i32) -> i32 {
    %c0_i32 = arith.constant 0 : i32
    %c0_i32_0 = arith.constant 0 : i32
    return %c0_i32 : i32
  }
  func.func @transform_1(%arg0: i32, %arg1: i32) -> (i32, i32, i32, i32) {
    %c0_i32 = arith.constant 0 : i32
    %c0_i32_0 = arith.constant 0 : i32
    %c0_i32_1 = arith.constant 0 : i32
    return %arg0, %arg1, %c0_i32, %c0_i32_0 : i32, i32, i32, i32
  }
  func.func @transform_2(%arg0: i32, %arg1: i32) -> (i32, i32, i32, i32) {
    %c0_i32 = arith.constant 0 : i32
    %c0_i32_0 = arith.constant 0 : i32
    %c0_i32_1 = arith.constant 0 : i32
    %c0_i32_2 = arith.constant 0 : i32
    return %arg0, %c0_i32, %c0_i32_0, %c0_i32_1 : i32, i32, i32, i32
  }
  func.func @transform_3(%arg0: i32, %arg1: i32) -> (i32, i32, i32, i32) {
    %c0_i32 = arith.constant 0 : i32
    %c0_i32_0 = arith.constant 0 : i32
    %c0_i32_1 = arith.constant 0 : i32
    return %arg0, %arg1, %c0_i32, %c0_i32_0 : i32, i32, i32, i32
  }
}

</mosaic_0001>

<sc_bundles>
// kernel: kernel.4.cloned.1.call-start
scs
__scs_entry_jumppad:
0x0: {  	(pc) =	sbr.rel $0x88, $3  }
0x1: {  	(tag) =	ssettag $0x0;
	lr =	simm.s32 $0x1  }
0x2: {  	[smem:$0x3F9D] =	sst lr;
	_ =	strace $0xD0000000  }
0x3: {  	_ = 	snop  }
0x4: {  	_ = 	snop  }
0x5: {  	_ = 	snop  }
0x6: {  	_ = 	snop  }
0x7: {  	_ = 	snop  }
__scs_overlays_trampoline_lowered:
0x8: {  	[smem:$0x3FAC] =	sst s0  }
0x9: {  	[smem:$0x3FAD] =	sst s1  }
0xa: {  	[smem:$0x3FAE] =	sst s2  }
0xb: {  	[smem:$0x3FAF] =	sst s3  }
0xc: {  	[smem:$0x3FB0] =	sst s4  }
0xd: {  	[smem:$0x3FB1] =	sst s5  }
0xe: {  	[smem:$0x3FB2] =	sst s6  }
0xf: {  	[smem:$0x3FB3] =	sst s7  }
0x10: {  	[smem:$0x3FB4] =	sst s8  }
0x11: {  	[smem:$0x3FB5] =	sst s9;
	s0 =	simm.s32 @!p0 $0x0  }
0x12: {  	s1 =	sld [smem:$0x3F9B];
	s0 =	simm.s32 @p0 $0x1  }
0x13: {  	[smem:$0x3FB6] =	sst s0;
	s0 =	simm.s32 @!p1 $0x0  }
0x14: {  	s2 =	sld [smem:$0x3F9A];
	s0 =	simm.s32 @p1 $0x1  }
0x15: {  	[smem:$0x3FB7] =	sst s0;
	s0 =	simm.s32 @!p2 $0x0  }
0x16: {  	s3 =	sld [smem:$0x3FDB];
	s0 =	simm.s32 @p2 $0x1  }
0x17: {  	s4 =	simm.s32 $0x1BF5;
	[smem:$0x3FB9] =	sst s0  }
0x18: {  	s0 =	sld [smem:$0x3F9C];
	_ =	swait.ge [sflag:s4], $0x0  }
0x19: {  	s7 =	sld [smem:$0x3F9D]  }
0x1a: {  	s8 =	sadd.s32 $0xFFFFE003, lr  }
0x1b: {  	s9 =	sadd.s32 $0xFFFFFEF7, lr;
	s5 =	simm.s32 $0xFFFFFFFF;
	p2 =	slt.u32 s8, $0xFFFFF086  }
0x1c: {  	p1 =	slt.u32 s9, $0xF7A;
	s5 =	simm.s32 @!p2 $0x0  }
0x1d: {  	s5 =	simm.s32 @p1 $0x1;
	p0 =	seq.s32 s7, s2  }
0x1e: {  	s7 =	smul.u32 @!p0 $0xF7A, s2;
	p2 =	seq.s32 @!p0 s5, $0x0  }
0x1f: {  	s9 =	smul.u32 $0xF7A, s1;
	s8 =	simm.s32 @!p0 $0x1BF5;
	p2 =	por !p2, p0  }
0x20: {  	[sflag:s8] =	ssyncset.s32 @!p0 $0xFFFFF086;
	s6 =	sadd.s32 @!p0 s3, s7;
	s7 =	simm.s32 @!p0 $0x108  }
0x21: {  	s3 =	sadd.s32 s3, s9;
	s6 =	sadd.s32 @!p0 $0x88, s6;
	s7 =	simm.s32 @p2 $0x1082  }
0x22: {  	[simem:s7], [sflag:s8] =	dma.local @!p0 [hbm:s6], $0xF7A  }
0x23: {  	s9 =	sor.u32 $0xD0000000, s2;
	s6 =	simm.s32 $0x108;
	_ =	swait.ge @!p0 [sflag:s8], $0x0  }
0x24: {  	s3 =	sadd.s32 $0x88, s3;
	s6 =	simm.s32 @!p1 $0x1082;
	[sflag:s4] =	ssyncset.s32 $0xFFFFF086  }
0x25: {  	[simem:s6], [sflag:s4] =	dma.local [hbm:s3], $0xF7A  }
0x26: {  	[smem:$0x3F9D] =	sst s1;
	(tag) =	ssettag s2;
	_ =	strace s9  }
0x27: {  	s1 =	sld [smem:$0x3FAD]  }
0x28: {  	s2 =	sld [smem:$0x3FAE]  }
0x29: {  	s4 =	sld [smem:$0x3FB0]  }
0x2a: {  	p0 =	seq.s32 s5, $0x0;
	s5 =	sld [smem:$0x3FB1]  }
0x2b: {  	s6 =	sld [smem:$0x3FB2]  }
0x2c: {  	s7 =	sld [smem:$0x3FB3]  }
0x2d: {  	s3 =	simm.s32 $0x108;
	s8 =	sld [smem:$0x3FB4]  }
0x2e: {  	s3 =	simm.s32 @!p0 $0x1082;
	s9 =	sld [smem:$0x3FB5]  }
0x2f: {  	lr =	sadd.s32 s0, s3;
	s0 =	sld [smem:$0x3FAC]  }
0x30: {  	s3 =	sld [smem:$0x3FAF]  }
0x31: {  	[smem:$0x3FB8] =	sst s10  }
0x32: {  	s10 =	sld [smem:$0x3FB6];
	_ =	sdelay $0x3  }
0x33: {  	p0 =	seq.s32 s10, $0x1;
	s10 =	sld [smem:$0x3FB8];
	_ =	sdelay $0x3  }
0x34: {  	[smem:$0x3FB8] =	sst s10  }
0x35: {  	s10 =	sld [smem:$0x3FB7];
	_ =	sdelay $0x3  }
0x36: {  	p1 =	seq.s32 s10, $0x1;
	s10 =	sld [smem:$0x3FB8];
	_ =	sdelay $0x3  }
0x37: {  	[smem:$0x3FB8] =	sst s10  }
0x38: {  	s10 =	sld [smem:$0x3FB9]  }
0x39: {  	_ = 	snop;
	(pc) =	sbr.ind lr, $3  }
0x3a: {  	_ = 	snop  }
0x3b: {  	_ = 	snop  }
0x3c: {  	p2 =	seq.s32 s10, $0x1;
	s10 =	sld [smem:$0x3FB8]  }
0x3d: {  	_ =	shalt  }
0x3e: {  	_ =	shalt  }
0x3f: {  	_ =	shalt  }
0x40: {  	_ =	shalt  }
0x41: {  	_ =	shalt  }
0x42: {  	_ =	shalt  }
0x43: {  	_ =	shalt  }
0x44: {  	_ =	shalt  }
0x45: {  	_ =	shalt  }
0x46: {  	_ =	shalt  }
0x47: {  	_ =	shalt  }
0x48: {  	_ =	shalt  }
0x49: {  	_ =	shalt  }
0x4a: {  	_ =	shalt  }
0x4b: {  	_ =	shalt  }
0x4c: {  	_ =	shalt  }
0x4d: {  	_ =	shalt  }
0x4e: {  	_ =	shalt  }
0x4f: {  	_ =	shalt  }
0x50: {  	_ =	shalt  }
0x51: {  	_ =	shalt  }
0x52: {  	_ =	shalt  }
0x53: {  	_ =	shalt  }
0x54: {  	_ =	shalt  }
0x55: {  	_ =	shalt  }
0x56: {  	_ =	shalt  }
0x57: {  	_ =	shalt  }
0x58: {  	_ =	shalt  }
0x59: {  	_ =	shalt  }
0x5a: {  	_ =	shalt  }
0x5b: {  	_ =	shalt  }
0x5c: {  	_ =	shalt  }
0x5d: {  	_ =	shalt  }
0x5e: {  	_ =	shalt  }
0x5f: {  	_ =	shalt  }
0x60: {  	_ =	shalt  }
0x61: {  	_ =	shalt  }
0x62: {  	_ =	shalt  }
0x63: {  	_ =	shalt  }
0x64: {  	_ =	shalt  }
0x65: {  	_ =	shalt  }
0x66: {  	_ =	shalt  }
0x67: {  	_ =	shalt  }
0x68: {  	_ =	shalt  }
0x69: {  	_ =	shalt  }
0x6a: {  	_ =	shalt  }
0x6b: {  	_ =	shalt  }
0x6c: {  	_ =	shalt  }
0x6d: {  	_ =	shalt  }
0x6e: {  	_ =	shalt  }
0x6f: {  	_ =	shalt  }
0x70: {  	_ =	shalt  }
0x71: {  	_ =	shalt  }
0x72: {  	_ =	shalt  }
0x73: {  	_ =	shalt  }
0x74: {  	_ =	shalt  }
0x75: {  	_ =	shalt  }
0x76: {  	_ =	shalt  }
0x77: {  	_ =	shalt  }
0x78: {  	_ =	shalt  }
0x79: {  	_ =	shalt  }
0x7a: {  	_ =	shalt  }
0x7b: {  	_ =	shalt  }
0x7c: {  	_ =	shalt  }
0x7d: {  	_ =	shalt  }
0x7e: {  	_ =	shalt  }
0x7f: {  	_ =	shalt  }
0x80: {  	_ =	shalt  }
0x81: {  	_ =	shalt  }
0x82: {  	_ =	shalt  }
0x83: {  	_ =	shalt  }
0x84: {  	_ =	shalt  }
0x85: {  	_ =	shalt  }
0x86: {  	_ =	shalt  }
0x87: {  	_ =	shalt  }
.Lfunc_end0:
.L_simem_size_0:
called_computation_lowered:
.L_overlay_start_0:
0x88: {  	s2 =	sld [smem:$0x3FD9]  }
0x89: {  	s3 =	sld [smem:$0x3FFE];
	_ =	sdelay $0x1  }
0x8a: {  	s1 =	srdreg.scid  }
0x8b: {  	s0 =	sand.u32 $0x1, s1  }
0x8c: {  	s17 =	sshll.u32 s0, $0xA;
	s2 =	sadd.s32 s3, s2  }
0x8d: {  	s2 =	sadd.s32 s2, s17  }
0x8e: {  	[smem:$0x3FC4] =	sst s2  }
0x8f: {  	_ = 	snop  }
0x90: {  	s2 =	sld [smem:$0x3FD0];
	(tm) =	ssettm $0x1  }
0x91: {  	s18 =	sld [smem:$0x3FFB];
	_ =	sdelay $0x3  }
0x92: {  	_ =	strace s18  }
0x93: {  	s3 =	sld [smem:$0x3FFC];
	_ =	sdelay $0x3  }
0x94: {  	_ =	strace s3  }
0x95: {  	s3 =	sld [smem:$0x3FFD];
	_ =	sdelay $0x3  }
0x96: {  	_ =	strace s3  }
0x97: {  	_ =	strace $0x8FFFFFFF  }
0x98: {  	s19 =	sld [smem:$0x3FDB];
	_ =	sdelay $0x1  }
0x99: {  	s4 =	simm.s32 $_scs_section_size  }
0x9a: {  	s5 =	simm.s32 $_size__tile_overlayer_lowered;
	s6 =	simm.s32 $_tile_overlayer_lowered  }
0x9b: {  	s22 =	simm.s32 $0x1BFF;
	s21 =	sshll.u32 s6, $0x1;
	s3 =	sadd.s32 s4, s19  }
0x9c: {  	s7 =	simm.s32 $0x0;
	s20 =	sshll.u32 s5, $0x1;
	s5 =	sadd.s32 s21, s3  }
0x9d: {  	[timem:s7], [sflag:s22] =	dma.local [hbm:s5], s20  }
0x9e: {  	_ =	swait.ge [sflag:s22], s20  }
0x9f: {  	s4 =	ssub.s32 $0x0, s20;
	[sflag:s22] =	ssyncset.done $0x0  }
0xa0: {  	[sflag:s22] =	ssyncadd.s32 s4;
	_ =	sdelay $0x1  }
0xa1: {  	s23 =	simm.s32 $0x1B8B  }
0xa2: {  	_ =	swait.ge [sflag:s23], $0x1  }
0xa3: {  	[sflag:s23] =	ssyncset.done $0x0  }
0xa4: {  	s25 =	simm.s32 $0x1B8E;
	s24 =	sld [smem:$0x3FFE];
	[sflag:s23] =	ssyncadd.s32 $0xFFFFFFFF  }
0xa5: {  	s26 =	simm.s32 $execute0_lowered;
	[smem:$0x3FD2] =	sst s25  }
0xa6: {  	s5 =	sshll.u32 s26, $0x1;
	_ =	strace $0x80000046;
	[dreg:$0x1] =	wrdreg $0xFFFFFFFF  }
0xa7: {  	s28 =	simm.s32 $_size_execute0_lowered;
	s3 =	sadd.s32 s3, s5;
	[dreg:$0x0] =	wrdreg $0x0  }
0xa8: {  	s5 =	sshll.u32 s28, $0x1;
	[dreg:$0x2] =	wrdreg s3  }
0xa9: {  	[dreg:$0x3] =	wrdreg s5  }
0xaa: {  	[dreg:$0x4] =	wrdreg $0xC0  }
0xab: {  	_ =	task [dreg:s7], $0x5FFFF  }
0xac: {  	[dreg:$0x1] =	wrdreg $0xFFFFFFFF  }
0xad: {  	[dreg:$0x0] =	wrdreg $0x60  }
0xae: {  	[dreg:$0x2] =	wrdreg s24  }
0xaf: {  	[dreg:$0x3] =	wrdreg s2  }
0xb0: {  	[dreg:$0x4] =	wrdreg $0x9  }
0xb1: {  	_ =	task.clear_ibuf [dreg:s7], $0x5FFFF;
	_ =	strace $0x90000046  }
0xb2: {  	s29 =	simm.s32 $0x9;
	_ =	strace $0x80000048  }
0xb3: {  	_ =	swait.ge [sflag:s29], $0x1  }
0xb4: {  	[sflag:s29] =	ssyncadd.s32 $0xFFFFFFFF  }
0xb5: {  	_ =	strace $0x90000048  }
0xb6: {  	_ =	sfence  }
0xb7: {  	s30 =	sld [smem:$0x0];
	_ =	sdelay $0x2  }
0xb8: {  	s31 =	sshll.u32 s1, $0xD;
	s1 =	sshrl.u32 s1, $0x2  }
0xb9: {  	s3 =	sand.u32 $0x4000, s31;
	s1 =	sadd.s32 s1, s30  }
0xba: {  	s0 =	sor.u32 s3, s0;
	s1 =	sshll.u32 s1, $0x11  }
0xbb: {  	s0 =	sor.u32 s1, s0  }
0xbc: {  	s0 =	sadd.s32 $0x8F2B, s0  }
0xbd: {  	[sflag:s0] =	ssyncadd.remote.s32 $0x1  }
0xbe: {  	_ =	sfence.sel $0xFFFF  }
0xbf: {  	[dreg:$0x0] =	wrdreg $0xFFFFFFFF;
	(pc) =	sbr.abs _section_cstart, $3  }
0xc0: {  	[dreg:$0x1] =	wrdreg $0xFFFFFFFF  }
0xc1: {  	_ =	task.clear_ibuf [dreg:s7], $0x2FFFF;
	_ =	strace $0x9FFFFFFF  }
0xc2: {  	(tm) =	ssettm $0x7FFFFFFF  }
0xc3: {  	_ =	shalt  }
tec
execute0_lowered:
.L_overlay_start_1:
0x0: {  	(tag) =	ssettag $0x1  }
0x1: {  	s1 =	rddreg [dreg:$0x0]  }
0x2: {  	s8 =	rddreg [dreg:$0x1];
	s2 =	simm.s32 $0x0  }
0x3: {  	v0 =	vimm.s32 $0x1;
	[smem:$0x7FF] =	sst s2  }
0x4: {  	s0 =	rddreg [dreg:$0x2];
	s4 =	simm.s32 $0x1;
	_ =	strace $0x80000047;
	[tilespmem:$0x10] =	vst v0  }
0x5: {  	[tilespmem:s2], [sflag:$0x1] =	stream.linear.gather [hbm4b:s1+s2], $0x10, $0x38;
	[tilespmem:$0x600] =	vst v63  }
0x6: {  	_ =	swait.ge [sflag:s4], $0x10  }
0x7: {  	s3 =	stileid.u32;
	[sflag:s4] =	ssyncset.done $0x0  }
0x8: {  	s5 =	sand.u32 $0xE, s3;
	[sflag:s4] =	ssyncadd.s32 $0xFFFFFFF0  }
0x9: {  	v3 =	vld [tilespmem:s5+$0x1]  }
0xa: {  	s6 =	srdreg.scid  }
0xb: {  	s7 =	sand.u32 $0x1, s6;
	s28 =	sshll.u32 s3, $0x1  }
0xc: {  	s6 =	sor.u32 s7, s28  }
0xd: {  	s9 =	sand.u32 $0x3, s6  }
0xe: {  	v1 =	vmov s9;
	v4 =	vld [tilespmem:s5+$0x0];
	v5 =	vshll.u32 v3, $0x1;
	v6 =	vmul.u32 $0x3, v3  }
0xf: {  	v2 =	vimm.s32 $0x0;
	vm0 =	vge.s32 v1, v3;
	vm1 =	vge.s32 v1, v5  }
0x10: {  	v5 =	vsel vm0, $0x1, v2;
	v7 =	vsel vm1, $0x1, v2;
	vm0 =	vge.s32 v1, v6  }
0x11: {  	v5 =	vadd.s32 v5, v7;
	v6 =	vsel vm0, $0x1, v2  }
0x12: {  	v5 =	vadd.s32 v6, v5  }
0x13: {  	v6 =	vmul.u32 v5, v3;
	v5 =	vshll.u32 v5, $0x2;
	v3 =	vmul.u32 v4, v3  }
0x14: {  	v4 =	vor.u32 v1, v5  }
0x15: {  	v4 =	vsub.s32 v4, v6;
	vm0 =	vlt.s32 v1, v3  }
0x16: {  	v3 =	vnsel vm0, $0x10, v4  }
0x17: {  	[tilespmem:$0x80] =	vst v3  }
0x18: {  	v3 =	vld.msk [tilespmem:$0x80], $0x1;
	_ =	sdelay $0x4  }
0x19: {  	v4 =	vshrl.u32 v3, $0x3  }
0x1a: {  	v4 =	vmul.u32 $0x50, v4  }
0x1b: {  	v3 =	vand.u32 $0x7, v3  }
0x1c: {  	v5 =	vlaneseq.u32;
	v4 =	vor.u32 v3, v4  }
0x1d: {  	v3 =	vmul.u32 $0x8, v5;
	v4 =	vperm.xlane v4, v2;
	_ =	sdelay $0x1  }
0x1e: {  	v4 =	vadd.s32 v3, v4  }
0x1f: {  	s29 =	sshrl.u32 s3, $0x2;
	s11 =	ssub.s32 $0x2, s7  }
0x20: {  	s7 =	simm.s32 $0x100;
	s10 =	sshll.u32 s6, $0x7;
	s31 =	sshrl.u32 s11, $0x1  }
0x21: {  	s6 =	sadd.s32 $0x200, s1;
	s30 =	sand.u32 $0x380, s10;
	s10 =	ssub.s32 s11, s31  }
0x22: {  	s9 =	smul.u32 $0x2800, s29;
	s11 =	smax.u32 s10, $0x1;
	s10 =	simm.s32 $0x400;
	vm0 =	vmmov $0x3ff  }
0x23: {  	[tilespmem:s7], [sflag:$0x1] =	stream.indirect_vreg.gather [hbm4b:s6+s2], $0x80, v4, vm0, $0xb8;
	[tilespmem:$0x600] =	vst v63  }
0x24: {  	s9 =	sor.u32 s9, s30;
	p0 =	sne.s32 s11, $0x1;
	_ =	swait.ge [sflag:s4], $0x500  }
.Ltmp0:
0x25: {  	s9 =	sshrl.u32 s9, $0x3;
	[sflag:s4] =	ssyncset.done $0x0;
	(pc) =	sbr.rel @!p0 .LBB2_2-.Ltmp0, $4  }
0x26: {  	s8 =	sadd.s32 s8, s9;
	s9 =	simm.s32 $0x80;
	[sflag:s4] =	ssyncadd.s32 $0xFFFFFB00  }
0x27: {  	[hbm4b:s8+s9] =	stream.strided.scatter [tilespmem:s7], [sflag:$0x1], $0x500, s10, s9, $0x38;
	[tilespmem:$0x600] =	vst v63  }
0x28: {  	_ =	swait.ge [sflag:s4], $0x500  }
0x29: {  	s11 =	sadd.s32 $0xFFFFFFFF, s11;
	[sflag:s4] =	ssyncset.done $0x0  }
.LBB2_1:
0x2a: {  	p0 =	sne.s32 s11, $0x1;
	s11 =	sadd.s32 $0xFFFFFFFF, s11;
	[sflag:s4] =	ssyncadd.s32 $0xFFFFFB00  }
0x2b: {  	[tilespmem:$0x10] =	vst v0  }
0x2c: {  	[tilespmem:s2], [sflag:$0x1] =	stream.linear.gather [hbm4b:s1+s2], $0x10, $0x38;
	[tilespmem:$0x600] =	vst v63  }
0x2d: {  	_ =	swait.ge [sflag:s4], $0x10  }
0x2e: {  	[sflag:s4] =	ssyncset.done $0x0  }
0x2f: {  	[sflag:s4] =	ssyncadd.s32 $0xFFFFFFF0  }
0x30: {  	v4 =	vld [tilespmem:s5+$0x1];
	_ =	sdelay $0x4  }
0x31: {  	v5 =	vld [tilespmem:s5+$0x0];
	vm1 =	vge.s32 v1, v4;
	v6 =	vshll.u32 v4, $0x1;
	v7 =	vmul.u32 $0x3, v4  }
0x32: {  	vm2 =	vge.s32 v1, v6  }
0x33: {  	v6 =	vsel vm1, $0x1, v2;
	v8 =	vsel vm2, $0x1, v2;
	vm1 =	vge.s32 v1, v7  }
0x34: {  	v6 =	vadd.s32 v6, v8;
	v7 =	vsel vm1, $0x1, v2  }
0x35: {  	v6 =	vadd.s32 v7, v6  }
0x36: {  	v7 =	vmul.u32 v6, v4;
	v6 =	vshll.u32 v6, $0x2;
	v4 =	vmul.u32 v5, v4  }
0x37: {  	v5 =	vor.u32 v1, v6  }
0x38: {  	v5 =	vsub.s32 v5, v7;
	vm1 =	vlt.s32 v1, v4  }
0x39: {  	v4 =	vnsel vm1, $0x10, v5  }
0x3a: {  	[tilespmem:$0x80] =	vst v4  }
0x3b: {  	v4 =	vld.msk [tilespmem:$0x80], $0x1;
	_ =	sdelay $0x4  }
0x3c: {  	v5 =	vshrl.u32 v4, $0x3  }
0x3d: {  	v5 =	vmul.u32 $0x50, v5  }
0x3e: {  	v4 =	vand.u32 $0x7, v4  }
0x3f: {  	v4 =	vor.u32 v4, v5  }
0x40: {  	v4 =	vperm.xlane v4, v2;
	_ =	sdelay $0x1  }
0x41: {  	v4 =	vadd.s32 v3, v4;
	_ =	sdelay $0x4  }
0x42: {  	[tilespmem:s7], [sflag:$0x1] =	stream.indirect_vreg.gather [hbm4b:s6+s2], $0x80, v4, vm0, $0xb8;
	[tilespmem:$0x600] =	vst v63  }
0x43: {  	_ =	swait.ge [sflag:s4], $0x500  }
.Ltmp1:
0x44: {  	[sflag:s4] =	ssyncset.done $0x0;
	(pc) =	sbr.rel @p0 .LBB2_1-.Ltmp1, $4  }
0x45: {  	[sflag:s4] =	ssyncadd.s32 $0xFFFFFB00  }
0x46: {  	[hbm4b:s8+s9] =	stream.strided.scatter [tilespmem:s7], [sflag:$0x1], $0x500, s10, s9, $0x38;
	[tilespmem:$0x600] =	vst v63  }
0x47: {  	_ =	swait.ge [sflag:s4], $0x500  }
0x48: {  	[sflag:s4] =	ssyncset.done $0x0  }
.LBB2_2:
0x49: {  	[sflag:s4] =	ssyncadd.s32 $0xFFFFFB00  }
0x4a: {  	_ =	sfence.sel $0x180000  }
0x4b: {  	[bflag:$0x0] =	sbarrier.arrive $0xFFFF  }
0x4c: {  	p0 =	sne.s32 s3, $0x0;
	_ =	strace $0x90000047  }
0x4d: {  	s0 =	sadd.s32 @!p0 $0x100000, s0;
	[bflag:$0x2] =	sbarrier.arrive $0xFFFF  }
0x4e: {  	[sflag:s0] =	ssyncadd.tile.s32 @!p0 $0x1;
	_ =	shalt  }
.Lfunc_end2:
_tile_overlayer_lowered:
.L_overlay_start_2:
0x4f: {  	(tag) =	ssettag $0x2  }
0x50: {  	s0 =	rddreg [dreg:$0x0];
	s2 =	stileid.u32  }
0x51: {  	s1 =	rddreg [dreg:$0x1];
	p0 =	sne.s32 s2, $0x0  }
0x52: {  	s3 =	rddreg [dreg:$0x2];
	[bflag:$0x3] =	sbarrier.arrive $0xFFFF;
	s2 =	simm.s32 @!p0 $0x1C01  }
0x53: {  	[timem:s3], [sflag:s2] =	dma.local @!p0 [hbm:s0], s1  }
0x54: {  	s0 =	simm.s32 @!p0 $0x1  }
0x55: {  	_ =	swait.ge @!p0 [sflag:s0], s1  }
0x56: {  	s1 =	ssub.s32 @!p0 $0x0, s1;
	[sflag:s0] =	ssyncset.done @!p0 $0x0  }
0x57: {  	[sflag:s0] =	ssyncadd.s32 @!p0 s1  }
0x58: {  	[bflag:$0x3] =	sbarrier.arrive $0xFFFF  }
0x59: {  	_ =	shalt  }

</sc_bundles>
